<compile_context>
chip_gen: v7x
topology: tpu7x:2x2x1
jax: 0.10.2.dev20260603
libtpu: 0.0.44.dev20260713+nightly
codegen_flags: <defaults>
</compile_context>

<pallas_src>
import functools

import jax
import jax.numpy as jnp
from jax import lax
from jax.experimental import pallas as pl
from jax.experimental.pallas import tpu as pltpu
from jax.experimental.pallas import tpu_sc as plsc

_D = 128
_info = plsc.get_sparse_core_info()
_NC = _info.num_cores
_NS = _info.num_subcores
_NW = _NC * _NS

_NBUF = 4


def _make_gather(n_tokens: int, chunk: int):
    per_w = n_tokens // _NW
    n_chunks = per_w // chunk
    n_groups = n_chunks // _NBUF
    mesh = plsc.VectorSubcoreMesh(core_axis_name="c", subcore_axis_name="s")

    @functools.partial(
        pl.kernel,
        mesh=mesh,
        out_type=jax.ShapeDtypeStruct((n_tokens, _D), jnp.float32),
        scratch_types=[pltpu.VMEM((per_w,), jnp.int32)]
        + [pltpu.VMEM((chunk, _D), jnp.float32)] * _NBUF
        + [pltpu.SemaphoreType.DMA] * (2 * _NBUF),
    )
    def k(idx_hbm, table_hbm, out_hbm, idx_v, *rest):
        bufs = rest[:_NBUF]
        gsems = rest[_NBUF:2 * _NBUF]
        wsems = rest[2 * _NBUF:]
        wid = lax.axis_index("s") * _NC + lax.axis_index("c")
        base = wid * per_w
        pltpu.sync_copy(idx_hbm.at[pl.ds(base, per_w)], idx_v)

        def start_gather(c, b):
            return pltpu.async_copy(
                table_hbm.at[idx_v.at[pl.ds(c * chunk, chunk)]],
                bufs[b], gsems[b])

        def wait_gather(b):
            pltpu.make_async_copy(
                table_hbm.at[idx_v.at[pl.ds(0, chunk)]],
                bufs[b], gsems[b]).wait()

        def start_write(c, b):
            return pltpu.async_copy(
                bufs[b], out_hbm.at[pl.ds(base + c * chunk, chunk)], wsems[b])

        def wait_write(b):
            pltpu.make_async_copy(
                bufs[b], out_hbm.at[pl.ds(base, chunk)], wsems[b]).wait()

        start_gather(0, 0)
        start_gather(1, 1)

        def body(g, _):
            for b in range(_NBUF):
                i = g * _NBUF + b
                nxt = (b + 2) % _NBUF
                if b >= 2:
                    @pl.when(g < n_groups - 1)
                    def _():
                        wait_write(nxt)
                        start_gather(i + 2, nxt)
                else:
                    @pl.when(g >= 1)
                    def _():
                        wait_write(nxt)
                    start_gather(i + 2, nxt)
                wait_gather(b)
                start_write(i, b)
            return ()

        lax.fori_loop(0, n_groups, body, ())
        for b in range(_NBUF):
            wait_write(b)

    return k


def _transpose_body(rows_ref, out_ref):
    for t in range(8):
        blk = rows_ref[pl.ds(t * _D, _D), :]
        out_ref[:, t] = blk.T.reshape(16, 8, _D)


def _make_transpose(seq: int, batch: int):
    return pl.pallas_call(
        _transpose_body,
        grid=(seq,),
        in_specs=[pl.BlockSpec((batch, _D), lambda s: (s, 0))],
        out_specs=pl.BlockSpec((16, 8, 8, _D), lambda s: (s, 0, 0, 0)),
        out_shape=jax.ShapeDtypeStruct((seq * 16, 8, 8, _D), jnp.float32),
    )


def kernel(x, table):
    batch, seq = x.shape
    idx = x.T.reshape(batch * seq).astype(jnp.int32)
    rows = _make_gather(batch * seq, 80)(idx, table)
    outp = _make_transpose(seq, batch)(rows)
    out = (outp.reshape(seq, 8, 2, 8, 8, _D)
           .transpose(3, 5, 0, 1, 2, 4)
           .reshape(batch, seq, 8, 16))
    return out

# --- scband reference (transcript-rebuilt; emitter-appended) ---
"""Pipeline reference for scband-cellular-token-embedding-35862976922105 (READ-ONLY COPY).

The authoritative reference and input builder live on the scoring server;
editing this copy changes nothing except your own understanding.
"""

import jax, jax.numpy as jnp
import numpy as np

VOCAB = 100000
NUM_ORGANELLES = 8
D_ORGANELLE = 16
D_EMB = NUM_ORGANELLES * D_ORGANELLE


def setup_inputs(seed: int = 0) -> dict:
    key = jax.random.key(seed)
    k1, k2 = jax.random.split(key)
    x = jax.random.randint(k1, (1024, 200), 0, VOCAB, dtype=jnp.int64 if jax.config.jax_enable_x64 else jnp.int32)
    table = jax.random.normal(k2, (VOCAB, D_EMB), dtype=jnp.float32)
    return {"x": x, "table": table}


def reference(x, table):
    # embedding lookup: [B, S] -> [B, S, D_EMB]
    emb = jnp.take(table, x, axis=0)
    batch_size, seq_len = x.shape
    # inflate to cellular state: [B, S, num_organelles, d_organelle]
    return emb.reshape(batch_size, seq_len, NUM_ORGANELLES, D_ORGANELLE)

if __name__ == "__main__":
    import jax
    _d = setup_inputs()
    print(jax.jit(kernel)(*tuple(_d.values())))

</pallas_src>

<mosaic_0001>
#map = affine_map<(d0, d1) -> (0)>
#map1 = affine_map<(d0, d1) -> (0, 0)>
module attributes {stable_mosaic.version = 14 : i64} {
  func.func @k(%arg0: i32, %arg1: i32, %arg2: memref<204800xi32, #tpu.memory_space<hbm>>, %arg3: memref<100000x128xf32, #tpu.memory_space<hbm>>, %arg4: memref<204800x128xf32, #tpu.memory_space<hbm>>, %arg5: memref<6400xi32, #tpu.memory_space<vmem>>, %arg6: memref<80x128xf32, #tpu.memory_space<vmem>>, %arg7: memref<80x128xf32, #tpu.memory_space<vmem>>, %arg8: memref<80x128xf32, #tpu.memory_space<vmem>>, %arg9: memref<80x128xf32, #tpu.memory_space<vmem>>, %arg10: memref<!tpu.dma_semaphore, #tpu.memory_space<semaphore_mem>>, %arg11: memref<!tpu.dma_semaphore, #tpu.memory_space<semaphore_mem>>, %arg12: memref<!tpu.dma_semaphore, #tpu.memory_space<semaphore_mem>>, %arg13: memref<!tpu.dma_semaphore, #tpu.memory_space<semaphore_mem>>, %arg14: memref<!tpu.dma_semaphore, #tpu.memory_space<semaphore_mem>>, %arg15: memref<!tpu.dma_semaphore, #tpu.memory_space<semaphore_mem>>, %arg16: memref<!tpu.dma_semaphore, #tpu.memory_space<semaphore_mem>>, %arg17: memref<!tpu.dma_semaphore, #tpu.memory_space<semaphore_mem>>) attributes {dimension_semantics = [#tpu.dimension_semantics<core_parallel>, #tpu.dimension_semantics<subcore_parallel>], iteration_bounds = array<i64: 2, 16>, scalar_prefetch = 0 : i64, scratch_operands = 13 : i64, tpu.core_type = #tpu.core_type<sc_vector_subcore>, window_params = [{transform_indices = #map}, {transform_indices = #map1}, {transform_indices = #map1}]} {
    %mul3A = arith.constant 2 : i32
    %mul3A_0 = arith.muli %arg1, %mul3A : i32
    %add3A = arith.addi %mul3A_0, %arg0 : i32
    %mul3A_1 = arith.constant 6400 : i32
    %mul3A_2 = arith.muli %add3A, %mul3A_1 : i32
    "tpu.region"() ({
      %run_scoped3A = tpu.sem_alloc : memref<!tpu.dma_semaphore, #tpu.memory_space<semaphore_mem>>
      %dma_start3A_31 = tpu.memref_slice %arg2[%mul3A_2] : memref<204800xi32, #tpu.memory_space<hbm>> -> memref<6400xi32, #tpu.memory_space<hbm>>
      %dma_start3A_32 = tpu.memref_slice %arg2[%mul3A_2] : memref<204800xi32, #tpu.memory_space<hbm>> -> memref<6400xi32, #tpu.memory_space<hbm>>
      tpu.enqueue_dma source(%dma_start3A_32 : memref<6400xi32, #tpu.memory_space<hbm>>) target(%arg5 : memref<6400xi32, #tpu.memory_space<vmem>>) target_semaphore(%run_scoped3A : memref<!tpu.dma_semaphore, #tpu.memory_space<semaphore_mem>>)
      %dma_wait3A_33 = tpu.memref_slice %arg2[%mul3A_2] : memref<204800xi32, #tpu.memory_space<hbm>> -> memref<6400xi32, #tpu.memory_space<hbm>>
      %dma_wait3A_34 = tpu.memref_slice %arg2[%mul3A_2] : memref<204800xi32, #tpu.memory_space<hbm>> -> memref<6400xi32, #tpu.memory_space<hbm>>
      tpu.wait_dma2 semaphore(%run_scoped3A : memref<!tpu.dma_semaphore, #tpu.memory_space<semaphore_mem>>) src(%dma_wait3A_34 : memref<6400xi32, #tpu.memory_space<hbm>>) dst(%arg5 : memref<6400xi32, #tpu.memory_space<vmem>>)
      tpu.yield
    }) : () -> ()
    %dma_start3A = arith.constant 0 : i32
    %dma_start3A_3 = tpu.memref_slice %arg5[%dma_start3A] : memref<6400xi32, #tpu.memory_space<vmem>> -> memref<80xi32, #tpu.memory_space<vmem>>
    %dma_start3A_4 = arith.constant 0 : i32
    %dma_start3A_5 = arith.constant 0 : i32
    %dma_start3A_6 = tpu.memref_slice %arg3[%dma_start3A_4, %dma_start3A_5] : memref<100000x128xf32, #tpu.memory_space<hbm>> -> memref<100000x128xf32, #tpu.memory_space<hbm>>
    tpu.enqueue_indirect_dma source(%dma_start3A_6 : memref<100000x128xf32, #tpu.memory_space<hbm>>) target(%arg6 : memref<80x128xf32, #tpu.memory_space<vmem>>) offsets(%dma_start3A_3 : memref<80xi32, #tpu.memory_space<vmem>>) semaphore(%arg10 : memref<!tpu.dma_semaphore, #tpu.memory_space<semaphore_mem>>)
    %dma_start3A_7 = arith.constant 80 : i32
    %dma_start3A_8 = tpu.memref_slice %arg5[%dma_start3A_7] : memref<6400xi32, #tpu.memory_space<vmem>> -> memref<80xi32, #tpu.memory_space<vmem>>
    %dma_start3A_9 = arith.constant 0 : i32
    %dma_start3A_10 = arith.constant 0 : i32
    %dma_start3A_11 = tpu.memref_slice %arg3[%dma_start3A_9, %dma_start3A_10] : memref<100000x128xf32, #tpu.memory_space<hbm>> -> memref<100000x128xf32, #tpu.memory_space<hbm>>
    tpu.enqueue_indirect_dma source(%dma_start3A_11 : memref<100000x128xf32, #tpu.memory_space<hbm>>) target(%arg7 : memref<80x128xf32, #tpu.memory_space<vmem>>) offsets(%dma_start3A_8 : memref<80xi32, #tpu.memory_space<vmem>>) semaphore(%arg11 : memref<!tpu.dma_semaphore, #tpu.memory_space<semaphore_mem>>)
    %scan3A = arith.constant 0 : i32
    %scan3A_12 = arith.constant 20 : i32
    %scan3A_13 = arith.addi %scan3A, %scan3A_12 : i32
    %scan3A_14 = arith.constant 1 : i32
    scf.for %scan3A_31 = %scan3A to %scan3A_13 step %scan3A_14  : i32 {
      %mul3A_32 = arith.constant 4 : i32
      %mul3A_33 = arith.muli %scan3A_31, %mul3A_32 : i32
      %add3A_34 = arith.constant 0 : i32
      %add3A_35 = arith.addi %mul3A_33, %add3A_34 : i32
      %ge3A = arith.constant 1 : i32
      %ge3A_36 = arith.cmpi sge, %scan3A_31, %ge3A : i32
      %convert_element_type3A = arith.extui %ge3A_36 : i1 to i32
      %cond3A = arith.constant 0 : i32
      %cond3A_37 = arith.cmpi ne, %convert_element_type3A, %cond3A : i32
      scf.if %cond3A_37 {
        %dma_wait3A_128 = arith.constant 0 : i32
        %dma_wait3A_129 = tpu.memref_slice %arg4[%mul3A_2, %dma_wait3A_128] : memref<204800x128xf32, #tpu.memory_space<hbm>> -> memref<80x128xf32, #tpu.memory_space<hbm>>
        %dma_wait3A_130 = arith.constant 0 : i32
        %dma_wait3A_131 = tpu.memref_slice %arg4[%mul3A_2, %dma_wait3A_130] : memref<204800x128xf32, #tpu.memory_space<hbm>> -> memref<80x128xf32, #tpu.memory_space<hbm>>
        tpu.wait_dma2 semaphore(%arg16 : memref<!tpu.dma_semaphore, #tpu.memory_space<semaphore_mem>>) src(%arg8 : memref<80x128xf32, #tpu.memory_space<vmem>>) dst(%dma_wait3A_131 : memref<80x128xf32, #tpu.memory_space<hbm>>)
      } else {
      }
      %add3A_38 = arith.constant 2 : i32
      %add3A_39 = arith.addi %add3A_35, %add3A_38 : i32
      %mul3A_40 = arith.constant 80 : i32
      %mul3A_41 = arith.muli %add3A_39, %mul3A_40 : i32
      %dma_start3A_42 = tpu.memref_slice %arg5[%mul3A_41] : memref<6400xi32, #tpu.memory_space<vmem>> -> memref<80xi32, #tpu.memory_space<vmem>>
      %dma_start3A_43 = arith.constant 0 : i32
      %dma_start3A_44 = arith.constant 0 : i32
      %dma_start3A_45 = tpu.memref_slice %arg3[%dma_start3A_43, %dma_start3A_44] : memref<100000x128xf32, #tpu.memory_space<hbm>> -> memref<100000x128xf32, #tpu.memory_space<hbm>>
      tpu.enqueue_indirect_dma source(%dma_start3A_45 : memref<100000x128xf32, #tpu.memory_space<hbm>>) target(%arg8 : memref<80x128xf32, #tpu.memory_space<vmem>>) offsets(%dma_start3A_42 : memref<80xi32, #tpu.memory_space<vmem>>) semaphore(%arg12 : memref<!tpu.dma_semaphore, #tpu.memory_space<semaphore_mem>>)
      %dma_wait3A_46 = arith.constant 0 : i32
      %dma_wait3A_47 = tpu.memref_slice %arg5[%dma_wait3A_46] : memref<6400xi32, #tpu.memory_space<vmem>> -> memref<80xi32, #tpu.memory_space<vmem>>
      %dma_wait3A_48 = arith.constant 0 : i32
      %dma_wait3A_49 = arith.constant 0 : i32
      %dma_wait3A_50 = tpu.memref_slice %arg3[%dma_wait3A_48, %dma_wait3A_49] : memref<100000x128xf32, #tpu.memory_space<hbm>> -> memref<100000x128xf32, #tpu.memory_space<hbm>>
      tpu.wait_indirect_dma semaphore(%arg10 : memref<!tpu.dma_semaphore, #tpu.memory_space<semaphore_mem>>) src(%dma_wait3A_50 : memref<100000x128xf32, #tpu.memory_space<hbm>>) dst(%arg6 : memref<80x128xf32, #tpu.memory_space<vmem>>)
      %mul3A_51 = arith.constant 80 : i32
      %mul3A_52 = arith.muli %add3A_35, %mul3A_51 : i32
      %add3A_53 = arith.addi %mul3A_2, %mul3A_52 : i32
      %dma_start3A_54 = arith.constant 0 : i32
      %dma_start3A_55 = tpu.memref_slice %arg4[%add3A_53, %dma_start3A_54] : memref<204800x128xf32, #tpu.memory_space<hbm>> -> memref<80x128xf32, #tpu.memory_space<hbm>>
      %dma_start3A_56 = arith.constant 0 : i32
      %dma_start3A_57 = tpu.memref_slice %arg4[%add3A_53, %dma_start3A_56] : memref<204800x128xf32, #tpu.memory_space<hbm>> -> memref<80x128xf32, #tpu.memory_space<hbm>>
      tpu.enqueue_dma source(%arg6 : memref<80x128xf32, #tpu.memory_space<vmem>>) target(%dma_start3A_57 : memref<80x128xf32, #tpu.memory_space<hbm>>) target_semaphore(%arg14 : memref<!tpu.dma_semaphore, #tpu.memory_space<semaphore_mem>>)
      %mul3A_58 = arith.constant 4 : i32
      %mul3A_59 = arith.muli %scan3A_31, %mul3A_58 : i32
      %add3A_60 = arith.constant 1 : i32
      %add3A_61 = arith.addi %mul3A_59, %add3A_60 : i32
      %ge3A_62 = arith.constant 1 : i32
      %ge3A_63 = arith.cmpi sge, %scan3A_31, %ge3A_62 : i32
      %convert_element_type3A_64 = arith.extui %ge3A_63 : i1 to i32
      %cond3A_65 = arith.constant 0 : i32
      %cond3A_66 = arith.cmpi ne, %convert_element_type3A_64, %cond3A_65 : i32
      scf.if %cond3A_66 {
        %dma_wait3A_128 = arith.constant 0 : i32
        %dma_wait3A_129 = tpu.memref_slice %arg4[%mul3A_2, %dma_wait3A_128] : memref<204800x128xf32, #tpu.memory_space<hbm>> -> memref<80x128xf32, #tpu.memory_space<hbm>>
        %dma_wait3A_130 = arith.constant 0 : i32
        %dma_wait3A_131 = tpu.memref_slice %arg4[%mul3A_2, %dma_wait3A_130] : memref<204800x128xf32, #tpu.memory_space<hbm>> -> memref<80x128xf32, #tpu.memory_space<hbm>>
        tpu.wait_dma2 semaphore(%arg17 : memref<!tpu.dma_semaphore, #tpu.memory_space<semaphore_mem>>) src(%arg9 : memref<80x128xf32, #tpu.memory_space<vmem>>) dst(%dma_wait3A_131 : memref<80x128xf32, #tpu.memory_space<hbm>>)
      } else {
      }
      %add3A_67 = arith.constant 2 : i32
      %add3A_68 = arith.addi %add3A_61, %add3A_67 : i32
      %mul3A_69 = arith.constant 80 : i32
      %mul3A_70 = arith.muli %add3A_68, %mul3A_69 : i32
      %dma_start3A_71 = tpu.memref_slice %arg5[%mul3A_70] : memref<6400xi32, #tpu.memory_space<vmem>> -> memref<80xi32, #tpu.memory_space<vmem>>
      %dma_start3A_72 = arith.constant 0 : i32
      %dma_start3A_73 = arith.constant 0 : i32
      %dma_start3A_74 = tpu.memref_slice %arg3[%dma_start3A_72, %dma_start3A_73] : memref<100000x128xf32, #tpu.memory_space<hbm>> -> memref<100000x128xf32, #tpu.memory_space<hbm>>
      tpu.enqueue_indirect_dma source(%dma_start3A_74 : memref<100000x128xf32, #tpu.memory_space<hbm>>) target(%arg9 : memref<80x128xf32, #tpu.memory_space<vmem>>) offsets(%dma_start3A_71 : memref<80xi32, #tpu.memory_space<vmem>>) semaphore(%arg13 : memref<!tpu.dma_semaphore, #tpu.memory_space<semaphore_mem>>)
      %dma_wait3A_75 = arith.constant 0 : i32
      %dma_wait3A_76 = tpu.memref_slice %arg5[%dma_wait3A_75] : memref<6400xi32, #tpu.memory_space<vmem>> -> memref<80xi32, #tpu.memory_space<vmem>>
      %dma_wait3A_77 = arith.constant 0 : i32
      %dma_wait3A_78 = arith.constant 0 : i32
      %dma_wait3A_79 = tpu.memref_slice %arg3[%dma_wait3A_77, %dma_wait3A_78] : memref<100000x128xf32, #tpu.memory_space<hbm>> -> memref<100000x128xf32, #tpu.memory_space<hbm>>
      tpu.wait_indirect_dma semaphore(%arg11 : memref<!tpu.dma_semaphore, #tpu.memory_space<semaphore_mem>>) src(%dma_wait3A_79 : memref<100000x128xf32, #tpu.memory_space<hbm>>) dst(%arg7 : memref<80x128xf32, #tpu.memory_space<vmem>>)
      %mul3A_80 = arith.constant 80 : i32
      %mul3A_81 = arith.muli %add3A_61, %mul3A_80 : i32
      %add3A_82 = arith.addi %mul3A_2, %mul3A_81 : i32
      %dma_start3A_83 = arith.constant 0 : i32
      %dma_start3A_84 = tpu.memref_slice %arg4[%add3A_82, %dma_start3A_83] : memref<204800x128xf32, #tpu.memory_space<hbm>> -> memref<80x128xf32, #tpu.memory_space<hbm>>
      %dma_start3A_85 = arith.constant 0 : i32
      %dma_start3A_86 = tpu.memref_slice %arg4[%add3A_82, %dma_start3A_85] : memref<204800x128xf32, #tpu.memory_space<hbm>> -> memref<80x128xf32, #tpu.memory_space<hbm>>
      tpu.enqueue_dma source(%arg7 : memref<80x128xf32, #tpu.memory_space<vmem>>) target(%dma_start3A_86 : memref<80x128xf32, #tpu.memory_space<hbm>>) target_semaphore(%arg15 : memref<!tpu.dma_semaphore, #tpu.memory_space<semaphore_mem>>)
      %mul3A_87 = arith.constant 4 : i32
      %mul3A_88 = arith.muli %scan3A_31, %mul3A_87 : i32
      %add3A_89 = arith.constant 2 : i32
      %add3A_90 = arith.addi %mul3A_88, %add3A_89 : i32
      %lt3A = arith.constant 19 : i32
      %lt3A_91 = arith.cmpi slt, %scan3A_31, %lt3A : i32
      %convert_element_type3A_92 = arith.extui %lt3A_91 : i1 to i32
      %cond3A_93 = arith.constant 0 : i32
      %cond3A_94 = arith.cmpi ne, %convert_element_type3A_92, %cond3A_93 : i32
      scf.if %cond3A_94 {
        %dma_wait3A_128 = arith.constant 0 : i32
        %dma_wait3A_129 = tpu.memref_slice %arg4[%mul3A_2, %dma_wait3A_128] : memref<204800x128xf32, #tpu.memory_space<hbm>> -> memref<80x128xf32, #tpu.memory_space<hbm>>
        %dma_wait3A_130 = arith.constant 0 : i32
        %dma_wait3A_131 = tpu.memref_slice %arg4[%mul3A_2, %dma_wait3A_130] : memref<204800x128xf32, #tpu.memory_space<hbm>> -> memref<80x128xf32, #tpu.memory_space<hbm>>
        tpu.wait_dma2 semaphore(%arg14 : memref<!tpu.dma_semaphore, #tpu.memory_space<semaphore_mem>>) src(%arg6 : memref<80x128xf32, #tpu.memory_space<vmem>>) dst(%dma_wait3A_131 : memref<80x128xf32, #tpu.memory_space<hbm>>)
        %add3A_132 = arith.constant 2 : i32
        %add3A_133 = arith.addi %add3A_90, %add3A_132 : i32
        %mul3A_134 = arith.constant 80 : i32
        %mul3A_135 = arith.muli %add3A_133, %mul3A_134 : i32
        %dma_start3A_136 = tpu.memref_slice %arg5[%mul3A_135] : memref<6400xi32, #tpu.memory_space<vmem>> -> memref<80xi32, #tpu.memory_space<vmem>>
        %dma_start3A_137 = arith.constant 0 : i32
        %dma_start3A_138 = arith.constant 0 : i32
        %dma_start3A_139 = tpu.memref_slice %arg3[%dma_start3A_137, %dma_start3A_138] : memref<100000x128xf32, #tpu.memory_space<hbm>> -> memref<100000x128xf32, #tpu.memory_space<hbm>>
        tpu.enqueue_indirect_dma source(%dma_start3A_139 : memref<100000x128xf32, #tpu.memory_space<hbm>>) target(%arg6 : memref<80x128xf32, #tpu.memory_space<vmem>>) offsets(%dma_start3A_136 : memref<80xi32, #tpu.memory_space<vmem>>) semaphore(%arg10 : memref<!tpu.dma_semaphore, #tpu.memory_space<semaphore_mem>>)
      } else {
      }
      %dma_wait3A_95 = arith.constant 0 : i32
      %dma_wait3A_96 = tpu.memref_slice %arg5[%dma_wait3A_95] : memref<6400xi32, #tpu.memory_space<vmem>> -> memref<80xi32, #tpu.memory_space<vmem>>
      %dma_wait3A_97 = arith.constant 0 : i32
      %dma_wait3A_98 = arith.constant 0 : i32
      %dma_wait3A_99 = tpu.memref_slice %arg3[%dma_wait3A_97, %dma_wait3A_98] : memref<100000x128xf32, #tpu.memory_space<hbm>> -> memref<100000x128xf32, #tpu.memory_space<hbm>>
      tpu.wait_indirect_dma semaphore(%arg12 : memref<!tpu.dma_semaphore, #tpu.memory_space<semaphore_mem>>) src(%dma_wait3A_99 : memref<100000x128xf32, #tpu.memory_space<hbm>>) dst(%arg8 : memref<80x128xf32, #tpu.memory_space<vmem>>)
      %mul3A_100 = arith.constant 80 : i32
      %mul3A_101 = arith.muli %add3A_90, %mul3A_100 : i32
      %add3A_102 = arith.addi %mul3A_2, %mul3A_101 : i32
      %dma_start3A_103 = arith.constant 0 : i32
      %dma_start3A_104 = tpu.memref_slice %arg4[%add3A_102, %dma_start3A_103] : memref<204800x128xf32, #tpu.memory_space<hbm>> -> memref<80x128xf32, #tpu.memory_space<hbm>>
      %dma_start3A_105 = arith.constant 0 : i32
      %dma_start3A_106 = tpu.memref_slice %arg4[%add3A_102, %dma_start3A_105] : memref<204800x128xf32, #tpu.memory_space<hbm>> -> memref<80x128xf32, #tpu.memory_space<hbm>>
      tpu.enqueue_dma source(%arg8 : memref<80x128xf32, #tpu.memory_space<vmem>>) target(%dma_start3A_106 : memref<80x128xf32, #tpu.memory_space<hbm>>) target_semaphore(%arg16 : memref<!tpu.dma_semaphore, #tpu.memory_space<semaphore_mem>>)
      %mul3A_107 = arith.constant 4 : i32
      %mul3A_108 = arith.muli %scan3A_31, %mul3A_107 : i32
      %add3A_109 = arith.constant 3 : i32
      %add3A_110 = arith.addi %mul3A_108, %add3A_109 : i32
      %lt3A_111 = arith.constant 19 : i32
      %lt3A_112 = arith.cmpi slt, %scan3A_31, %lt3A_111 : i32
      %convert_element_type3A_113 = arith.extui %lt3A_112 : i1 to i32
      %cond3A_114 = arith.constant 0 : i32
      %cond3A_115 = arith.cmpi ne, %convert_element_type3A_113, %cond3A_114 : i32
      scf.if %cond3A_115 {
        %dma_wait3A_128 = arith.constant 0 : i32
        %dma_wait3A_129 = tpu.memref_slice %arg4[%mul3A_2, %dma_wait3A_128] : memref<204800x128xf32, #tpu.memory_space<hbm>> -> memref<80x128xf32, #tpu.memory_space<hbm>>
        %dma_wait3A_130 = arith.constant 0 : i32
        %dma_wait3A_131 = tpu.memref_slice %arg4[%mul3A_2, %dma_wait3A_130] : memref<204800x128xf32, #tpu.memory_space<hbm>> -> memref<80x128xf32, #tpu.memory_space<hbm>>
        tpu.wait_dma2 semaphore(%arg15 : memref<!tpu.dma_semaphore, #tpu.memory_space<semaphore_mem>>) src(%arg7 : memref<80x128xf32, #tpu.memory_space<vmem>>) dst(%dma_wait3A_131 : memref<80x128xf32, #tpu.memory_space<hbm>>)
        %add3A_132 = arith.constant 2 : i32
        %add3A_133 = arith.addi %add3A_110, %add3A_132 : i32
        %mul3A_134 = arith.constant 80 : i32
        %mul3A_135 = arith.muli %add3A_133, %mul3A_134 : i32
        %dma_start3A_136 = tpu.memref_slice %arg5[%mul3A_135] : memref<6400xi32, #tpu.memory_space<vmem>> -> memref<80xi32, #tpu.memory_space<vmem>>
        %dma_start3A_137 = arith.constant 0 : i32
        %dma_start3A_138 = arith.constant 0 : i32
        %dma_start3A_139 = tpu.memref_slice %arg3[%dma_start3A_137, %dma_start3A_138] : memref<100000x128xf32, #tpu.memory_space<hbm>> -> memref<100000x128xf32, #tpu.memory_space<hbm>>
        tpu.enqueue_indirect_dma source(%dma_start3A_139 : memref<100000x128xf32, #tpu.memory_space<hbm>>) target(%arg7 : memref<80x128xf32, #tpu.memory_space<vmem>>) offsets(%dma_start3A_136 : memref<80xi32, #tpu.memory_space<vmem>>) semaphore(%arg11 : memref<!tpu.dma_semaphore, #tpu.memory_space<semaphore_mem>>)
      } else {
      }
      %dma_wait3A_116 = arith.constant 0 : i32
      %dma_wait3A_117 = tpu.memref_slice %arg5[%dma_wait3A_116] : memref<6400xi32, #tpu.memory_space<vmem>> -> memref<80xi32, #tpu.memory_space<vmem>>
      %dma_wait3A_118 = arith.constant 0 : i32
      %dma_wait3A_119 = arith.constant 0 : i32
      %dma_wait3A_120 = tpu.memref_slice %arg3[%dma_wait3A_118, %dma_wait3A_119] : memref<100000x128xf32, #tpu.memory_space<hbm>> -> memref<100000x128xf32, #tpu.memory_space<hbm>>
      tpu.wait_indirect_dma semaphore(%arg13 : memref<!tpu.dma_semaphore, #tpu.memory_space<semaphore_mem>>) src(%dma_wait3A_120 : memref<100000x128xf32, #tpu.memory_space<hbm>>) dst(%arg9 : memref<80x128xf32, #tpu.memory_space<vmem>>)
      %mul3A_121 = arith.constant 80 : i32
      %mul3A_122 = arith.muli %add3A_110, %mul3A_121 : i32
      %add3A_123 = arith.addi %mul3A_2, %mul3A_122 : i32
      %dma_start3A_124 = arith.constant 0 : i32
      %dma_start3A_125 = tpu.memref_slice %arg4[%add3A_123, %dma_start3A_124] : memref<204800x128xf32, #tpu.memory_space<hbm>> -> memref<80x128xf32, #tpu.memory_space<hbm>>
      %dma_start3A_126 = arith.constant 0 : i32
      %dma_start3A_127 = tpu.memref_slice %arg4[%add3A_123, %dma_start3A_126] : memref<204800x128xf32, #tpu.memory_space<hbm>> -> memref<80x128xf32, #tpu.memory_space<hbm>>
      tpu.enqueue_dma source(%arg9 : memref<80x128xf32, #tpu.memory_space<vmem>>) target(%dma_start3A_127 : memref<80x128xf32, #tpu.memory_space<hbm>>) target_semaphore(%arg17 : memref<!tpu.dma_semaphore, #tpu.memory_space<semaphore_mem>>)
    }
    %scan3A_15 = arith.constant 20 : i32
    %dma_wait3A = arith.constant 0 : i32
    %dma_wait3A_16 = tpu.memref_slice %arg4[%mul3A_2, %dma_wait3A] : memref<204800x128xf32, #tpu.memory_space<hbm>> -> memref<80x128xf32, #tpu.memory_space<hbm>>
    %dma_wait3A_17 = arith.constant 0 : i32
    %dma_wait3A_18 = tpu.memref_slice %arg4[%mul3A_2, %dma_wait3A_17] : memref<204800x128xf32, #tpu.memory_space<hbm>> -> memref<80x128xf32, #tpu.memory_space<hbm>>
    tpu.wait_dma2 semaphore(%arg14 : memref<!tpu.dma_semaphore, #tpu.memory_space<semaphore_mem>>) src(%arg6 : memref<80x128xf32, #tpu.memory_space<vmem>>) dst(%dma_wait3A_18 : memref<80x128xf32, #tpu.memory_space<hbm>>)
    %dma_wait3A_19 = arith.constant 0 : i32
    %dma_wait3A_20 = tpu.memref_slice %arg4[%mul3A_2, %dma_wait3A_19] : memref<204800x128xf32, #tpu.memory_space<hbm>> -> memref<80x128xf32, #tpu.memory_space<hbm>>
    %dma_wait3A_21 = arith.constant 0 : i32
    %dma_wait3A_22 = tpu.memref_slice %arg4[%mul3A_2, %dma_wait3A_21] : memref<204800x128xf32, #tpu.memory_space<hbm>> -> memref<80x128xf32, #tpu.memory_space<hbm>>
    tpu.wait_dma2 semaphore(%arg15 : memref<!tpu.dma_semaphore, #tpu.memory_space<semaphore_mem>>) src(%arg7 : memref<80x128xf32, #tpu.memory_space<vmem>>) dst(%dma_wait3A_22 : memref<80x128xf32, #tpu.memory_space<hbm>>)
    %dma_wait3A_23 = arith.constant 0 : i32
    %dma_wait3A_24 = tpu.memref_slice %arg4[%mul3A_2, %dma_wait3A_23] : memref<204800x128xf32, #tpu.memory_space<hbm>> -> memref<80x128xf32, #tpu.memory_space<hbm>>
    %dma_wait3A_25 = arith.constant 0 : i32
    %dma_wait3A_26 = tpu.memref_slice %arg4[%mul3A_2, %dma_wait3A_25] : memref<204800x128xf32, #tpu.memory_space<hbm>> -> memref<80x128xf32, #tpu.memory_space<hbm>>
    tpu.wait_dma2 semaphore(%arg16 : memref<!tpu.dma_semaphore, #tpu.memory_space<semaphore_mem>>) src(%arg8 : memref<80x128xf32, #tpu.memory_space<vmem>>) dst(%dma_wait3A_26 : memref<80x128xf32, #tpu.memory_space<hbm>>)
    %dma_wait3A_27 = arith.constant 0 : i32
    %dma_wait3A_28 = tpu.memref_slice %arg4[%mul3A_2, %dma_wait3A_27] : memref<204800x128xf32, #tpu.memory_space<hbm>> -> memref<80x128xf32, #tpu.memory_space<hbm>>
    %dma_wait3A_29 = arith.constant 0 : i32
    %dma_wait3A_30 = tpu.memref_slice %arg4[%mul3A_2, %dma_wait3A_29] : memref<204800x128xf32, #tpu.memory_space<hbm>> -> memref<80x128xf32, #tpu.memory_space<hbm>>
    tpu.wait_dma2 semaphore(%arg17 : memref<!tpu.dma_semaphore, #tpu.memory_space<semaphore_mem>>) src(%arg9 : memref<80x128xf32, #tpu.memory_space<vmem>>) dst(%dma_wait3A_30 : memref<80x128xf32, #tpu.memory_space<hbm>>)
    return
  }
}

module attributes {stable_mosaic.version = 14 : i64} {
  func.func @_transpose_body(%arg0: i32, %arg1: memref<1024x128xf32, #tpu.memory_space<vmem>>, %arg2: memref<16x8x8x128xf32, #tpu.memory_space<vmem>>) attributes {dimension_semantics = [#tpu.dimension_semantics<arbitrary>], iteration_bounds = array<i64: 200>, scalar_prefetch = 0 : i64, scratch_operands = 0 : i64, tpu.core_type = #tpu.core_type<tc>, window_params = [{transform_indices = @transform_0, window_bounds = array<i64: 1024, 128>}, {transform_indices = @transform_1, window_bounds = array<i64: 16, 8, 8, 128>}]} {
    %get3A = arith.constant 0 : index
    %get3A_0 = arith.constant 0 : index
    %get3A_1 = vector.load %arg1[%get3A, %get3A_0] : memref<1024x128xf32, #tpu.memory_space<vmem>>, vector<128x128xf32>
    %transpose3A = tpu.transpose %get3A_1, [1, 0] : vector<128x128xf32> -> vector<128x128xf32>
    %reshape3A = vector.shape_cast %transpose3A : vector<128x128xf32> to vector<16x8x128xf32>
    %swap3A = arith.constant 0 : index
    %swap3A_2 = arith.constant 0 : index
    %swap3A_3 = arith.constant 0 : index
    %swap3A_4 = arith.constant 0 : index
    %swap3A_5 = vector.load %arg2[%swap3A, %swap3A_2, %swap3A_3, %swap3A_4] : memref<16x8x8x128xf32, #tpu.memory_space<vmem>>, vector<16x1x8x128xf32>
    %swap3A_6 = vector.shape_cast %swap3A_5 : vector<16x1x8x128xf32> to vector<16x8x128xf32>
    %swap3A_7 = vector.shape_cast %reshape3A : vector<16x8x128xf32> to vector<16x1x8x128xf32>
    tpu.vector_store %arg2[%swap3A, %swap3A_2, %swap3A_3, %swap3A_4], %swap3A_7 {strides = array<i32>} : memref<16x8x8x128xf32, #tpu.memory_space<vmem>>, vector<16x1x8x128xf32>,
    %get3A_8 = arith.constant 128 : index
    %get3A_9 = arith.constant 0 : index
    %get3A_10 = vector.load %arg1[%get3A_8, %get3A_9] : memref<1024x128xf32, #tpu.memory_space<vmem>>, vector<128x128xf32>
    %transpose3A_11 = tpu.transpose %get3A_10, [1, 0] : vector<128x128xf32> -> vector<128x128xf32>
    %reshape3A_12 = vector.shape_cast %transpose3A_11 : vector<128x128xf32> to vector<16x8x128xf32>
    %swap3A_13 = arith.constant 0 : index
    %swap3A_14 = arith.constant 1 : index
    %swap3A_15 = arith.constant 0 : index
    %swap3A_16 = arith.constant 0 : index
    %swap3A_17 = vector.load %arg2[%swap3A_13, %swap3A_14, %swap3A_15, %swap3A_16] : memref<16x8x8x128xf32, #tpu.memory_space<vmem>>, vector<16x1x8x128xf32>
    %swap3A_18 = vector.shape_cast %swap3A_17 : vector<16x1x8x128xf32> to vector<16x8x128xf32>
    %swap3A_19 = vector.shape_cast %reshape3A_12 : vector<16x8x128xf32> to vector<16x1x8x128xf32>
    tpu.vector_store %arg2[%swap3A_13, %swap3A_14, %swap3A_15, %swap3A_16], %swap3A_19 {strides = array<i32>} : memref<16x8x8x128xf32, #tpu.memory_space<vmem>>, vector<16x1x8x128xf32>,
    %get3A_20 = arith.constant 256 : index
    %get3A_21 = arith.constant 0 : index
    %get3A_22 = vector.load %arg1[%get3A_20, %get3A_21] : memref<1024x128xf32, #tpu.memory_space<vmem>>, vector<128x128xf32>
    %transpose3A_23 = tpu.transpose %get3A_22, [1, 0] : vector<128x128xf32> -> vector<128x128xf32>
    %reshape3A_24 = vector.shape_cast %transpose3A_23 : vector<128x128xf32> to vector<16x8x128xf32>
    %swap3A_25 = arith.constant 0 : index
    %swap3A_26 = arith.constant 2 : index
    %swap3A_27 = arith.constant 0 : index
    %swap3A_28 = arith.constant 0 : index
    %swap3A_29 = vector.load %arg2[%swap3A_25, %swap3A_26, %swap3A_27, %swap3A_28] : memref<16x8x8x128xf32, #tpu.memory_space<vmem>>, vector<16x1x8x128xf32>
    %swap3A_30 = vector.shape_cast %swap3A_29 : vector<16x1x8x128xf32> to vector<16x8x128xf32>
    %swap3A_31 = vector.shape_cast %reshape3A_24 : vector<16x8x128xf32> to vector<16x1x8x128xf32>
    tpu.vector_store %arg2[%swap3A_25, %swap3A_26, %swap3A_27, %swap3A_28], %swap3A_31 {strides = array<i32>} : memref<16x8x8x128xf32, #tpu.memory_space<vmem>>, vector<16x1x8x128xf32>,
    %get3A_32 = arith.constant 384 : index
    %get3A_33 = arith.constant 0 : index
    %get3A_34 = vector.load %arg1[%get3A_32, %get3A_33] : memref<1024x128xf32, #tpu.memory_space<vmem>>, vector<128x128xf32>
    %transpose3A_35 = tpu.transpose %get3A_34, [1, 0] : vector<128x128xf32> -> vector<128x128xf32>
    %reshape3A_36 = vector.shape_cast %transpose3A_35 : vector<128x128xf32> to vector<16x8x128xf32>
    %swap3A_37 = arith.constant 0 : index
    %swap3A_38 = arith.constant 3 : index
    %swap3A_39 = arith.constant 0 : index
    %swap3A_40 = arith.constant 0 : index
    %swap3A_41 = vector.load %arg2[%swap3A_37, %swap3A_38, %swap3A_39, %swap3A_40] : memref<16x8x8x128xf32, #tpu.memory_space<vmem>>, vector<16x1x8x128xf32>
    %swap3A_42 = vector.shape_cast %swap3A_41 : vector<16x1x8x128xf32> to vector<16x8x128xf32>
    %swap3A_43 = vector.shape_cast %reshape3A_36 : vector<16x8x128xf32> to vector<16x1x8x128xf32>
    tpu.vector_store %arg2[%swap3A_37, %swap3A_38, %swap3A_39, %swap3A_40], %swap3A_43 {strides = array<i32>} : memref<16x8x8x128xf32, #tpu.memory_space<vmem>>, vector<16x1x8x128xf32>,
    %get3A_44 = arith.constant 512 : index
    %get3A_45 = arith.constant 0 : index
    %get3A_46 = vector.load %arg1[%get3A_44, %get3A_45] : memref<1024x128xf32, #tpu.memory_space<vmem>>, vector<128x128xf32>
    %transpose3A_47 = tpu.transpose %get3A_46, [1, 0] : vector<128x128xf32> -> vector<128x128xf32>
    %reshape3A_48 = vector.shape_cast %transpose3A_47 : vector<128x128xf32> to vector<16x8x128xf32>
    %swap3A_49 = arith.constant 0 : index
    %swap3A_50 = arith.constant 4 : index
    %swap3A_51 = arith.constant 0 : index
    %swap3A_52 = arith.constant 0 : index
    %swap3A_53 = vector.load %arg2[%swap3A_49, %swap3A_50, %swap3A_51, %swap3A_52] : memref<16x8x8x128xf32, #tpu.memory_space<vmem>>, vector<16x1x8x128xf32>
    %swap3A_54 = vector.shape_cast %swap3A_53 : vector<16x1x8x128xf32> to vector<16x8x128xf32>
    %swap3A_55 = vector.shape_cast %reshape3A_48 : vector<16x8x128xf32> to vector<16x1x8x128xf32>
    tpu.vector_store %arg2[%swap3A_49, %swap3A_50, %swap3A_51, %swap3A_52], %swap3A_55 {strides = array<i32>} : memref<16x8x8x128xf32, #tpu.memory_space<vmem>>, vector<16x1x8x128xf32>,
    %get3A_56 = arith.constant 640 : index
    %get3A_57 = arith.constant 0 : index
    %get3A_58 = vector.load %arg1[%get3A_56, %get3A_57] : memref<1024x128xf32, #tpu.memory_space<vmem>>, vector<128x128xf32>
    %transpose3A_59 = tpu.transpose %get3A_58, [1, 0] : vector<128x128xf32> -> vector<128x128xf32>
    %reshape3A_60 = vector.shape_cast %transpose3A_59 : vector<128x128xf32> to vector<16x8x128xf32>
    %swap3A_61 = arith.constant 0 : index
    %swap3A_62 = arith.constant 5 : index
    %swap3A_63 = arith.constant 0 : index
    %swap3A_64 = arith.constant 0 : index
    %swap3A_65 = vector.load %arg2[%swap3A_61, %swap3A_62, %swap3A_63, %swap3A_64] : memref<16x8x8x128xf32, #tpu.memory_space<vmem>>, vector<16x1x8x128xf32>
    %swap3A_66 = vector.shape_cast %swap3A_65 : vector<16x1x8x128xf32> to vector<16x8x128xf32>
    %swap3A_67 = vector.shape_cast %reshape3A_60 : vector<16x8x128xf32> to vector<16x1x8x128xf32>
    tpu.vector_store %arg2[%swap3A_61, %swap3A_62, %swap3A_63, %swap3A_64], %swap3A_67 {strides = array<i32>} : memref<16x8x8x128xf32, #tpu.memory_space<vmem>>, vector<16x1x8x128xf32>,
    %get3A_68 = arith.constant 768 : index
    %get3A_69 = arith.constant 0 : index
    %get3A_70 = vector.load %arg1[%get3A_68, %get3A_69] : memref<1024x128xf32, #tpu.memory_space<vmem>>, vector<128x128xf32>
    %transpose3A_71 = tpu.transpose %get3A_70, [1, 0] : vector<128x128xf32> -> vector<128x128xf32>
    %reshape3A_72 = vector.shape_cast %transpose3A_71 : vector<128x128xf32> to vector<16x8x128xf32>
    %swap3A_73 = arith.constant 0 : index
    %swap3A_74 = arith.constant 6 : index
    %swap3A_75 = arith.constant 0 : index
    %swap3A_76 = arith.constant 0 : index
    %swap3A_77 = vector.load %arg2[%swap3A_73, %swap3A_74, %swap3A_75, %swap3A_76] : memref<16x8x8x128xf32, #tpu.memory_space<vmem>>, vector<16x1x8x128xf32>
    %swap3A_78 = vector.shape_cast %swap3A_77 : vector<16x1x8x128xf32> to vector<16x8x128xf32>
    %swap3A_79 = vector.shape_cast %reshape3A_72 : vector<16x8x128xf32> to vector<16x1x8x128xf32>
    tpu.vector_store %arg2[%swap3A_73, %swap3A_74, %swap3A_75, %swap3A_76], %swap3A_79 {strides = array<i32>} : memref<16x8x8x128xf32, #tpu.memory_space<vmem>>, vector<16x1x8x128xf32>,
    %get3A_80 = arith.constant 896 : index
    %get3A_81 = arith.constant 0 : index
    %get3A_82 = vector.load %arg1[%get3A_80, %get3A_81] : memref<1024x128xf32, #tpu.memory_space<vmem>>, vector<128x128xf32>
    %transpose3A_83 = tpu.transpose %get3A_82, [1, 0] : vector<128x128xf32> -> vector<128x128xf32>
    %reshape3A_84 = vector.shape_cast %transpose3A_83 : vector<128x128xf32> to vector<16x8x128xf32>
    %swap3A_85 = arith.constant 0 : index
    %swap3A_86 = arith.constant 7 : index
    %swap3A_87 = arith.constant 0 : index
    %swap3A_88 = arith.constant 0 : index
    %swap3A_89 = vector.load %arg2[%swap3A_85, %swap3A_86, %swap3A_87, %swap3A_88] : memref<16x8x8x128xf32, #tpu.memory_space<vmem>>, vector<16x1x8x128xf32>
    %swap3A_90 = vector.shape_cast %swap3A_89 : vector<16x1x8x128xf32> to vector<16x8x128xf32>
    %swap3A_91 = vector.shape_cast %reshape3A_84 : vector<16x8x128xf32> to vector<16x1x8x128xf32>
    tpu.vector_store %arg2[%swap3A_85, %swap3A_86, %swap3A_87, %swap3A_88], %swap3A_91 {strides = array<i32>} : memref<16x8x8x128xf32, #tpu.memory_space<vmem>>, vector<16x1x8x128xf32>,
    return
  }
  func.func @transform_0(%arg0: i32) -> (i32, i32) {
    %c0_i32 = arith.constant 0 : i32
    %c0_i32_0 = arith.constant 0 : i32
    return %arg0, %c0_i32 : i32, i32
  }
  func.func @transform_1(%arg0: i32) -> (i32, i32, i32, i32) {
    %c0_i32 = arith.constant 0 : i32
    %c0_i32_0 = arith.constant 0 : i32
    %c0_i32_1 = arith.constant 0 : i32
    %c0_i32_2 = arith.constant 0 : i32
    return %arg0, %c0_i32, %c0_i32_0, %c0_i32_1 : i32, i32, i32, i32
  }
}

</mosaic_0001>

<sc_bundles>
// kernel: kernel.4.cloned.1.call-start
scs
__scs_entry_jumppad:
0x0: {  	(pc) =	sbr.rel $0x88, $3  }
0x1: {  	(tag) =	ssettag $0x0;
	lr =	simm.s32 $0x1  }
0x2: {  	[smem:$0x3F9F] =	sst lr;
	_ =	strace $0xD0000000  }
0x3: {  	_ = 	snop  }
0x4: {  	_ = 	snop  }
0x5: {  	_ = 	snop  }
0x6: {  	_ = 	snop  }
0x7: {  	_ = 	snop  }
__scs_overlays_trampoline_lowered:
0x8: {  	[smem:$0x3FAE] =	sst s0  }
0x9: {  	[smem:$0x3FAF] =	sst s1  }
0xa: {  	[smem:$0x3FB0] =	sst s2  }
0xb: {  	[smem:$0x3FB1] =	sst s3  }
0xc: {  	[smem:$0x3FB2] =	sst s4  }
0xd: {  	[smem:$0x3FB3] =	sst s5  }
0xe: {  	[smem:$0x3FB4] =	sst s6  }
0xf: {  	[smem:$0x3FB5] =	sst s7  }
0x10: {  	[smem:$0x3FB6] =	sst s8  }
0x11: {  	[smem:$0x3FB7] =	sst s9;
	s0 =	simm.s32 @!p0 $0x0  }
0x12: {  	s1 =	sld [smem:$0x3F9D];
	s0 =	simm.s32 @p0 $0x1  }
0x13: {  	[smem:$0x3FB8] =	sst s0;
	s0 =	simm.s32 @!p1 $0x0  }
0x14: {  	s2 =	sld [smem:$0x3F9C];
	s0 =	simm.s32 @p1 $0x1  }
0x15: {  	[smem:$0x3FB9] =	sst s0;
	s0 =	simm.s32 @!p2 $0x0  }
0x16: {  	s3 =	sld [smem:$0x3FDB];
	s0 =	simm.s32 @p2 $0x1  }
0x17: {  	s4 =	simm.s32 $0x1BF5;
	[smem:$0x3FBB] =	sst s0  }
0x18: {  	s0 =	sld [smem:$0x3F9E];
	_ =	swait.ge [sflag:s4], $0x0  }
0x19: {  	s7 =	sld [smem:$0x3F9F]  }
0x1a: {  	s8 =	sadd.s32 $0xFFFFE003, lr  }
0x1b: {  	s9 =	sadd.s32 $0xFFFFFEF7, lr;
	s5 =	simm.s32 $0xFFFFFFFF;
	p2 =	slt.u32 s8, $0xFFFFF086  }
0x1c: {  	p1 =	slt.u32 s9, $0xF7A;
	s5 =	simm.s32 @!p2 $0x0  }
0x1d: {  	s5 =	simm.s32 @p1 $0x1;
	p0 =	seq.s32 s7, s2  }
0x1e: {  	s7 =	smul.u32 @!p0 $0xF7A, s2;
	p2 =	seq.s32 @!p0 s5, $0x0  }
0x1f: {  	s9 =	smul.u32 $0xF7A, s1;
	s8 =	simm.s32 @!p0 $0x1BF5;
	p2 =	por !p2, p0  }
0x20: {  	[sflag:s8] =	ssyncset.s32 @!p0 $0xFFFFF086;
	s6 =	sadd.s32 @!p0 s3, s7;
	s7 =	simm.s32 @!p0 $0x108  }
0x21: {  	s3 =	sadd.s32 s3, s9;
	s6 =	sadd.s32 @!p0 $0x88, s6;
	s7 =	simm.s32 @p2 $0x1082  }
0x22: {  	[simem:s7], [sflag:s8] =	dma.local @!p0 [hbm:s6], $0xF7A  }
0x23: {  	s9 =	sor.u32 $0xD0000000, s2;
	s6 =	simm.s32 $0x108;
	_ =	swait.ge @!p0 [sflag:s8], $0x0  }
0x24: {  	s3 =	sadd.s32 $0x88, s3;
	s6 =	simm.s32 @!p1 $0x1082;
	[sflag:s4] =	ssyncset.s32 $0xFFFFF086  }
0x25: {  	[simem:s6], [sflag:s4] =	dma.local [hbm:s3], $0xF7A  }
0x26: {  	[smem:$0x3F9F] =	sst s1;
	(tag) =	ssettag s2;
	_ =	strace s9  }
0x27: {  	s1 =	sld [smem:$0x3FAF]  }
0x28: {  	s2 =	sld [smem:$0x3FB0]  }
0x29: {  	s4 =	sld [smem:$0x3FB2]  }
0x2a: {  	p0 =	seq.s32 s5, $0x0;
	s5 =	sld [smem:$0x3FB3]  }
0x2b: {  	s6 =	sld [smem:$0x3FB4]  }
0x2c: {  	s7 =	sld [smem:$0x3FB5]  }
0x2d: {  	s3 =	simm.s32 $0x108;
	s8 =	sld [smem:$0x3FB6]  }
0x2e: {  	s3 =	simm.s32 @!p0 $0x1082;
	s9 =	sld [smem:$0x3FB7]  }
0x2f: {  	lr =	sadd.s32 s0, s3;
	s0 =	sld [smem:$0x3FAE]  }
0x30: {  	s3 =	sld [smem:$0x3FB1]  }
0x31: {  	[smem:$0x3FBA] =	sst s10  }
0x32: {  	s10 =	sld [smem:$0x3FB8];
	_ =	sdelay $0x3  }
0x33: {  	p0 =	seq.s32 s10, $0x1;
	s10 =	sld [smem:$0x3FBA];
	_ =	sdelay $0x3  }
0x34: {  	[smem:$0x3FBA] =	sst s10  }
0x35: {  	s10 =	sld [smem:$0x3FB9];
	_ =	sdelay $0x3  }
0x36: {  	p1 =	seq.s32 s10, $0x1;
	s10 =	sld [smem:$0x3FBA];
	_ =	sdelay $0x3  }
0x37: {  	[smem:$0x3FBA] =	sst s10  }
0x38: {  	s10 =	sld [smem:$0x3FBB]  }
0x39: {  	_ = 	snop;
	(pc) =	sbr.ind lr, $3  }
0x3a: {  	_ = 	snop  }
0x3b: {  	_ = 	snop  }
0x3c: {  	p2 =	seq.s32 s10, $0x1;
	s10 =	sld [smem:$0x3FBA]  }
0x3d: {  	_ =	shalt  }
0x3e: {  	_ =	shalt  }
0x3f: {  	_ =	shalt  }
0x40: {  	_ =	shalt  }
0x41: {  	_ =	shalt  }
0x42: {  	_ =	shalt  }
0x43: {  	_ =	shalt  }
0x44: {  	_ =	shalt  }
0x45: {  	_ =	shalt  }
0x46: {  	_ =	shalt  }
0x47: {  	_ =	shalt  }
0x48: {  	_ =	shalt  }
0x49: {  	_ =	shalt  }
0x4a: {  	_ =	shalt  }
0x4b: {  	_ =	shalt  }
0x4c: {  	_ =	shalt  }
0x4d: {  	_ =	shalt  }
0x4e: {  	_ =	shalt  }
0x4f: {  	_ =	shalt  }
0x50: {  	_ =	shalt  }
0x51: {  	_ =	shalt  }
0x52: {  	_ =	shalt  }
0x53: {  	_ =	shalt  }
0x54: {  	_ =	shalt  }
0x55: {  	_ =	shalt  }
0x56: {  	_ =	shalt  }
0x57: {  	_ =	shalt  }
0x58: {  	_ =	shalt  }
0x59: {  	_ =	shalt  }
0x5a: {  	_ =	shalt  }
0x5b: {  	_ =	shalt  }
0x5c: {  	_ =	shalt  }
0x5d: {  	_ =	shalt  }
0x5e: {  	_ =	shalt  }
0x5f: {  	_ =	shalt  }
0x60: {  	_ =	shalt  }
0x61: {  	_ =	shalt  }
0x62: {  	_ =	shalt  }
0x63: {  	_ =	shalt  }
0x64: {  	_ =	shalt  }
0x65: {  	_ =	shalt  }
0x66: {  	_ =	shalt  }
0x67: {  	_ =	shalt  }
0x68: {  	_ =	shalt  }
0x69: {  	_ =	shalt  }
0x6a: {  	_ =	shalt  }
0x6b: {  	_ =	shalt  }
0x6c: {  	_ =	shalt  }
0x6d: {  	_ =	shalt  }
0x6e: {  	_ =	shalt  }
0x6f: {  	_ =	shalt  }
0x70: {  	_ =	shalt  }
0x71: {  	_ =	shalt  }
0x72: {  	_ =	shalt  }
0x73: {  	_ =	shalt  }
0x74: {  	_ =	shalt  }
0x75: {  	_ =	shalt  }
0x76: {  	_ =	shalt  }
0x77: {  	_ =	shalt  }
0x78: {  	_ =	shalt  }
0x79: {  	_ =	shalt  }
0x7a: {  	_ =	shalt  }
0x7b: {  	_ =	shalt  }
0x7c: {  	_ =	shalt  }
0x7d: {  	_ =	shalt  }
0x7e: {  	_ =	shalt  }
0x7f: {  	_ =	shalt  }
0x80: {  	_ =	shalt  }
0x81: {  	_ =	shalt  }
0x82: {  	_ =	shalt  }
0x83: {  	_ =	shalt  }
0x84: {  	_ =	shalt  }
0x85: {  	_ =	shalt  }
0x86: {  	_ =	shalt  }
0x87: {  	_ =	shalt  }
.Lfunc_end0:
.L_simem_size_0:
called_computation_lowered:
.L_overlay_start_0:
0x88: {  	s2 =	sld [smem:$0x3FD9]  }
0x89: {  	s3 =	sld [smem:$0x3FFE];
	_ =	sdelay $0x1  }
0x8a: {  	s1 =	srdreg.scid  }
0x8b: {  	s0 =	sand.u32 $0x1, s1  }
0x8c: {  	s17 =	sshll.u32 s0, $0xA;
	s2 =	sadd.s32 s3, s2  }
0x8d: {  	s2 =	sadd.s32 s2, s17  }
0x8e: {  	[smem:$0x3FC6] =	sst s2  }
0x8f: {  	_ = 	snop  }
0x90: {  	s2 =	sld [smem:$0x3FC8]  }
0x91: {  	s18 =	sld [smem:$0x3FD0];
	(tm) =	ssettm $0x1  }
0x92: {  	s4 =	sld [smem:$0x3FFB];
	_ =	sdelay $0x3  }
0x93: {  	_ =	strace s4  }
0x94: {  	s4 =	sld [smem:$0x3FFC];
	_ =	sdelay $0x3  }
0x95: {  	_ =	strace s4  }
0x96: {  	s4 =	sld [smem:$0x3FFD];
	_ =	sdelay $0x3  }
0x97: {  	_ =	strace s4  }
0x98: {  	_ =	strace $0x8FFFFFFF  }
0x99: {  	s19 =	sld [smem:$0x3FDB];
	_ =	sdelay $0x1  }
0x9a: {  	s5 =	simm.s32 $_scs_section_size  }
0x9b: {  	s6 =	simm.s32 $_size__tile_overlayer_lowered;
	s7 =	simm.s32 $_tile_overlayer_lowered  }
0x9c: {  	s22 =	simm.s32 $0x1BFF;
	s21 =	sshll.u32 s7, $0x1;
	s4 =	sadd.s32 s5, s19  }
0x9d: {  	s8 =	simm.s32 $0x0;
	s20 =	sshll.u32 s6, $0x1;
	s6 =	sadd.s32 s21, s4  }
0x9e: {  	[timem:s8], [sflag:s22] =	dma.local [hbm:s6], s20  }
0x9f: {  	_ =	swait.ge [sflag:s22], s20  }
0xa0: {  	s5 =	ssub.s32 $0x0, s20;
	[sflag:s22] =	ssyncset.done $0x0  }
0xa1: {  	[sflag:s22] =	ssyncadd.s32 s5;
	_ =	sdelay $0x1  }
0xa2: {  	s23 =	simm.s32 $0x1B8B  }
0xa3: {  	_ =	swait.ge [sflag:s23], $0x1  }
0xa4: {  	[sflag:s23] =	ssyncset.done $0x0  }
0xa5: {  	s25 =	simm.s32 $0x1B8E;
	s24 =	sld [smem:$0x3FFE];
	[sflag:s23] =	ssyncadd.s32 $0xFFFFFFFF  }
0xa6: {  	s26 =	simm.s32 $execute0_lowered;
	[smem:$0x3FD2] =	sst s25  }
0xa7: {  	s6 =	sshll.u32 s26, $0x1;
	_ =	strace $0x80000046;
	[dreg:$0x1] =	wrdreg $0xFFFFFFFF  }
0xa8: {  	s28 =	simm.s32 $_size_execute0_lowered;
	s4 =	sadd.s32 s4, s6;
	[dreg:$0x0] =	wrdreg $0x0  }
0xa9: {  	s6 =	sshll.u32 s28, $0x1;
	[dreg:$0x2] =	wrdreg s4  }
0xaa: {  	[dreg:$0x3] =	wrdreg s6  }
0xab: {  	[dreg:$0x4] =	wrdreg $0xC0  }
0xac: {  	_ =	task [dreg:s8], $0x5FFFF  }
0xad: {  	[dreg:$0x1] =	wrdreg $0xFFFFFFFF  }
0xae: {  	[dreg:$0x0] =	wrdreg $0x60  }
0xaf: {  	[dreg:$0x2] =	wrdreg s18  }
0xb0: {  	[dreg:$0x3] =	wrdreg s2  }
0xb1: {  	[dreg:$0x4] =	wrdreg s24  }
0xb2: {  	[dreg:$0x5] =	wrdreg $0x9  }
0xb3: {  	_ =	task.clear_ibuf [dreg:s8], $0x6FFFF;
	_ =	strace $0x90000046  }
0xb4: {  	s29 =	simm.s32 $0x9;
	_ =	strace $0x80000048  }
0xb5: {  	_ =	swait.ge [sflag:s29], $0x1  }
0xb6: {  	[sflag:s29] =	ssyncadd.s32 $0xFFFFFFFF  }
0xb7: {  	_ =	strace $0x90000048  }
0xb8: {  	_ =	sfence  }
0xb9: {  	s30 =	sld [smem:$0x0];
	_ =	sdelay $0x2  }
0xba: {  	s31 =	sshll.u32 s1, $0xD;
	s1 =	sshrl.u32 s1, $0x2  }
0xbb: {  	s3 =	sand.u32 $0x4000, s31;
	s1 =	sadd.s32 s1, s30  }
0xbc: {  	s0 =	sor.u32 s3, s0;
	s1 =	sshll.u32 s1, $0x11  }
0xbd: {  	s0 =	sor.u32 s1, s0  }
0xbe: {  	s0 =	sadd.s32 $0x8F2B, s0  }
0xbf: {  	[sflag:s0] =	ssyncadd.remote.s32 $0x1  }
0xc0: {  	_ =	sfence.sel $0xFFFF  }
0xc1: {  	[dreg:$0x0] =	wrdreg $0xFFFFFFFF;
	(pc) =	sbr.abs _section_cstart, $3  }
0xc2: {  	[dreg:$0x1] =	wrdreg $0xFFFFFFFF  }
0xc3: {  	_ =	task.clear_ibuf [dreg:s8], $0x2FFFF;
	_ =	strace $0x9FFFFFFF  }
0xc4: {  	(tm) =	ssettm $0x7FFFFFFF  }
0xc5: {  	_ =	shalt  }
tec
execute0_lowered:
.L_overlay_start_1:
0x0: {  	(tag) =	ssettag $0x1  }
0x1: {  	s4 =	rddreg [dreg:$0x0]  }
0x2: {  	s0 =	stileid.u32;
	s2 =	rddreg [dreg:$0x1]  }
0x3: {  	s1 =	srdreg.scid;
	s6 =	rddreg [dreg:$0x2];
	s3 =	simm.s32 $0x0  }
0x4: {  	s11 =	simm.s32 $0x6900;
	s10 =	simm.s32 $0x4100;
	s12 =	simm.s32 $0x9100  }
0x5: {  	s13 =	simm.s32 $0x2;
	s14 =	simm.s32 $0x4;
	s15 =	simm.s32 $0x5  }
0x6: {  	s16 =	simm.s32 $0x6;
	s17 =	simm.s32 $0x7;
	s18 =	simm.s32 $0x8  }
0x7: {  	s19 =	simm.s32 $0x0;
	s5 =	sand.u32 $0x1, s1;
	s1 =	rddreg [dreg:$0x3]  }
0x8: {  	s30 =	sshll.u32 s0, $0x1;
	s7 =	smul.u32 $0x32000, s0;
	[smem:$0x7FF] =	sst s3  }
0x9: {  	s8 =	sor.u32 s5, s30;
	s9 =	ssub.s32 $0x2, s5;
	s5 =	smul.u32 $0x19000, s5  }
0xa: {  	_ =	strace $0x80000047;
	[dreg:$0x4] =	wrdreg s11;
	s11 =	simm.s32 $0x1  }
0xb: {  	s8 =	smul.u32 $0x1900, s8;
	s6 =	sadd.s32 s7, s6;
	s31 =	sshrl.u32 s9, $0x1  }
0xc: {  	s7 =	ssub.s32 s9, s31;
	s6 =	sadd.s32 s5, s6;
	s9 =	simm.s32 $0x1900  }
0xd: {  	s8 =	sshrl.u32 s8, $0x3;
	s5 =	smax.u32 s7, $0x1;
	s6 =	sadd.s32 $0x1300, s6  }
0xe: {  	s7 =	simm.s32 $0x9;
	s4 =	sadd.s32 s4, s8;
	s8 =	simm.s32 $0x50  }
.LBB2_1:
0xf: {  	[tilespmem:s3], [sflag:$0x9] =	stream.linear.gather [hbm4b:s4+s3], $0x1900, $0x38;
	[tilespmem:$0xB900] =	vst v63  }
0x10: {  	_ =	swait.ge [sflag:s7], $0x1900  }
0x11: {  	[sflag:s7] =	ssyncset.done $0x0  }
0x12: {  	p0 =	por $0x1, $0x1;
	[sflag:s7] =	ssyncadd.s32 $0xFFFFE700  }
0x13: {  	[tilespmem:s9], [sflag:$0x1] =	stream.indirect.gather [hbm4b:s2+s8], $0x80, s3, s8, $0xb8;
	[tilespmem:$0xB900] =	vst v63  }
0x14: {  	s20 =	simm.s32 @!p0 $0x7  }
0x15: {  	[tilespmem:s10], [sflag:$0x2] =	stream.indirect.gather [hbm4b:s2+s8], $0x80, s8, s8, $0xb8;
	[tilespmem:$0xB900] =	vst v63  }
0x16: {  	_ =	swait.ge @!p0 [sflag:s20], $0x2800  }
0x17: {  	[sflag:s20] =	ssyncset.done @!p0 $0x0  }
0x18: {  	s28 =	simm.s32 $0xA0;
	s21 =	rddreg [dreg:$0x4];
	[sflag:s20] =	ssyncadd.s32 @!p0 $0xFFFFD800  }
0x19: {  	[tilespmem:s21], [sflag:$0x3] =	stream.indirect.gather [hbm4b:s2+s8], $0x80, s28, s8, $0xb8;
	[tilespmem:$0xB900] =	vst v63  }
0x1a: {  	_ =	swait.ge [sflag:s11], $0x2800  }
0x1b: {  	[sflag:s11] =	ssyncset.done $0x0  }
0x1c: {  	s29 =	sadd.s32 $0xFFFFF100, s6;
	s21 =	simm.s32 @!p0 $0x8;
	[sflag:s11] =	ssyncadd.s32 $0xFFFFD800  }
0x1d: {  	[hbm4b:s29+s3] =	stream.linear.scatter [tilespmem:s9], [sflag:$0x5], $0x2800, $0x38;
	[tilespmem:$0xB900] =	vst v63  }
0x1e: {  	_ =	swait.ge @!p0 [sflag:s21], $0x2800  }
0x1f: {  	[sflag:s21] =	ssyncset.done @!p0 $0x0  }
0x20: {  	s30 =	simm.s32 $0xF0;
	[sflag:s21] =	ssyncadd.s32 @!p0 $0xFFFFD800  }
0x21: {  	[tilespmem:s12], [sflag:$0x4] =	stream.indirect.gather [hbm4b:s2+s8], $0x80, s30, s8, $0xb8;
	[tilespmem:$0xB900] =	vst v63  }
0x22: {  	_ =	swait.ge [sflag:s13], $0x2800  }
0x23: {  	p0 =	por $0x0, $0x0;
	[sflag:s13] =	ssyncset.done $0x0  }
0x24: {  	s31 =	sadd.s32 $0xFFFFF600, s6;
	s21 =	simm.s32 @p0 $0x3;
	[sflag:s13] =	ssyncadd.s32 $0xFFFFD800  }
0x25: {  	[hbm4b:s31+s3] =	stream.linear.scatter [tilespmem:s10], [sflag:$0x6], $0x2800, $0x38;
	[tilespmem:$0xB900] =	vst v63  }
0x26: {  	_ =	swait.ge @p0 [sflag:s21], $0x2800  }
0x27: {  	s20 =	simm.s32 @p0 $0x6900;
	s22 =	sadd.s32 @p0 $0xFFFFFB00, s6;
	[sflag:s21] =	ssyncset.done @p0 $0x0  }
0x28: {  	s23 =	simm.s32 @p0 $0x0;
	[sflag:s21] =	ssyncadd.s32 @p0 $0xFFFFD800;
	s21 =	simm.s32 @!p0 $0x5  }
0x29: {  	[hbm4b:s22+s23] =	stream.linear.scatter @p0 [tilespmem:s20], [sflag:$0x7], $0x2800, $0x38;
	[tilespmem:$0xB900] =	vst v63  }
0x2a: {  	_ =	swait.ge @!p0 [sflag:s21], $0x2800  }
0x2b: {  	s20 =	simm.s32 @!p0 $0x140;
	s22 =	simm.s32 @!p0 $0x50;
	[sflag:s21] =	ssyncset.done @!p0 $0x0  }
0x2c: {  	s23 =	simm.s32 @!p0 $0x1900;
	[sflag:s21] =	ssyncadd.s32 @!p0 $0xFFFFD800;
	s21 =	simm.s32 @!p0 $0x3  }
0x2d: {  	[tilespmem:s23], [sflag:$0x1] =	stream.indirect.gather @!p0 [hbm4b:s2+s22], $0x80, s20, s22, $0xb8;
	[tilespmem:$0xB900] =	vst v63  }
0x2e: {  	_ =	swait.ge @!p0 [sflag:s21], $0x2800  }
0x2f: {  	s24 =	simm.s32 @!p0 $0x0;
	s20 =	simm.s32 @!p0 $0x6900;
	[sflag:s21] =	ssyncset.done @!p0 $0x0  }
0x30: {  	s23 =	sadd.s32 @!p0 $0xFFFFFB00, s6;
	[sflag:s21] =	ssyncadd.s32 @!p0 $0xFFFFD800;
	s21 =	simm.s32 @!p0 $0x6  }
0x31: {  	[hbm4b:s23+s24] =	stream.linear.scatter @!p0 [tilespmem:s20], [sflag:$0x7], $0x2800, $0x38;
	[tilespmem:$0xB900] =	vst v63  }
0x32: {  	_ =	swait.ge @!p0 [sflag:s21], $0x2800  }
0x33: {  	[sflag:s21] =	ssyncset.done @!p0 $0x0  }
0x34: {  	s20 =	simm.s32 @!p0 $0x190;
	s23 =	simm.s32 @!p0 $0x4100;
	[sflag:s21] =	ssyncadd.s32 @!p0 $0xFFFFD800  }
0x35: {  	[tilespmem:s23], [sflag:$0x2] =	stream.indirect.gather @!p0 [hbm4b:s2+s22], $0x80, s20, s22, $0xb8;
	[tilespmem:$0xB900] =	vst v63  }
0x36: {  	p1 =	por $0x0, $0x0;
	s21 =	simm.s32 $0x500;
	s22 =	simm.s32 $0xA00  }
0x37: {  	s20 =	sadd.s32 $0x1400, s6;
	s23 =	smov.u32 s6;
	_ =	swait.ge [sflag:s14], $0x2800  }
.LBB2_2:
0x38: {  	[sflag:s14] =	ssyncset.done $0x0  }
0x39: {  	s25 =	simm.s32 @!p1 $0x7;
	[sflag:s14] =	ssyncadd.s32 $0xFFFFD800  }
0x3a: {  	[hbm4b:s23+s3] =	stream.linear.scatter [tilespmem:s12], [sflag:$0x8], $0x2800, $0x38;
	[tilespmem:$0xB900] =	vst v63  }
0x3b: {  	_ =	swait.ge @!p1 [sflag:s25], $0x2800  }
0x3c: {  	s26 =	sshra.s32 s21, $0x2;
	[sflag:s25] =	ssyncset.done @!p1 $0x0  }
0x3d: {  	s31 =	sadd.s32 $0xA0, s26;
	s28 =	rddreg [dreg:$0x4];
	[sflag:s25] =	ssyncadd.s32 @!p1 $0xFFFFD800  }
0x3e: {  	[tilespmem:s28], [sflag:$0x3] =	stream.indirect.gather [hbm4b:s2+s8], $0x80, s31, s8, $0xb8;
	[tilespmem:$0xB900] =	vst v63  }
0x3f: {  	_ =	swait.ge [sflag:s11], $0x2800  }
0x40: {  	[sflag:s11] =	ssyncset.done $0x0  }
0x41: {  	s29 =	sadd.s32 $0xFFFFF100, s20;
	s28 =	simm.s32 @!p1 $0x8;
	[sflag:s11] =	ssyncadd.s32 $0xFFFFD800  }
0x42: {  	[hbm4b:s29+s3] =	stream.linear.scatter [tilespmem:s9], [sflag:$0x5], $0x2800, $0x38;
	[tilespmem:$0xB900] =	vst v63  }
0x43: {  	_ =	swait.ge @!p1 [sflag:s28], $0x2800  }
0x44: {  	[sflag:s28] =	ssyncset.done @!p1 $0x0  }
0x45: {  	s30 =	sadd.s32 $0xF0, s26;
	[sflag:s28] =	ssyncadd.s32 @!p1 $0xFFFFD800  }
0x46: {  	[tilespmem:s12], [sflag:$0x4] =	stream.indirect.gather [hbm4b:s2+s8], $0x80, s30, s8, $0xb8;
	[tilespmem:$0xB900] =	vst v63  }
0x47: {  	_ =	swait.ge [sflag:s13], $0x2800  }
0x48: {  	s24 =	smov.u32 s22;
	p1 =	seq.s32 s21, $0x5F00;
	[sflag:s13] =	ssyncset.done $0x0  }
0x49: {  	s31 =	sadd.s32 $0xFFFFF600, s20;
	s26 =	simm.s32 @p1 $0x3;
	[sflag:s13] =	ssyncadd.s32 $0xFFFFD800  }
0x4a: {  	[hbm4b:s31+s3] =	stream.linear.scatter [tilespmem:s10], [sflag:$0x6], $0x2800, $0x38;
	[tilespmem:$0xB900] =	vst v63  }
0x4b: {  	s22 =	sadd.s32 $0x500, s22;
	s21 =	sshra.s32 @!p1 s21, $0x2;
	_ =	swait.ge @p1 [sflag:s26], $0x2800  }
0x4c: {  	s25 =	simm.s32 @p1 $0x6900;
	s29 =	sadd.s32 @p1 $0xFFFFFB00, s20;
	[sflag:s26] =	ssyncset.done @p1 $0x0  }
0x4d: {  	s30 =	simm.s32 @p1 $0x0;
	[sflag:s26] =	ssyncadd.s32 @p1 $0xFFFFD800;
	s26 =	simm.s32 @!p1 $0x5  }
0x4e: {  	[hbm4b:s29+s30] =	stream.linear.scatter @p1 [tilespmem:s25], [sflag:$0x7], $0x2800, $0x38;
	[tilespmem:$0xB900] =	vst v63  }
0x4f: {  	s28 =	sadd.s32 @!p1 $0x140, s21;
	s31 =	sadd.s32 @!p1 $0x190, s21;
	_ =	swait.ge @!p1 [sflag:s26], $0x2800  }
0x50: {  	s21 =	smov.u32 s24;
	s24 =	simm.s32 @!p1 $0x50;
	[sflag:s26] =	ssyncset.done @!p1 $0x0  }
0x51: {  	s25 =	simm.s32 @!p1 $0x1900;
	[sflag:s26] =	ssyncadd.s32 @!p1 $0xFFFFD800;
	s26 =	simm.s32 @!p1 $0x3  }
0x52: {  	[tilespmem:s25], [sflag:$0x1] =	stream.indirect.gather @!p1 [hbm4b:s2+s24], $0x80, s28, s24, $0xb8;
	[tilespmem:$0xB900] =	vst v63  }
0x53: {  	p0 =	sne.s32 s22, $0x6400;
	_ =	swait.ge @!p1 [sflag:s26], $0x2800  }
0x54: {  	s29 =	simm.s32 @!p1 $0x0;
	s25 =	simm.s32 @!p1 $0x6900;
	[sflag:s26] =	ssyncset.done @!p1 $0x0  }
0x55: {  	s28 =	sadd.s32 @!p1 $0xFFFFFB00, s20;
	[sflag:s26] =	ssyncadd.s32 @!p1 $0xFFFFD800;
	s26 =	simm.s32 @!p1 $0x6  }
0x56: {  	[hbm4b:s28+s29] =	stream.linear.scatter @!p1 [tilespmem:s25], [sflag:$0x7], $0x2800, $0x38;
	[tilespmem:$0xB900] =	vst v63  }
.Ltmp0:
0x57: {  	_ =	swait.ge @!p1 [sflag:s26], $0x2800;
	(pc) =	sbr.rel @p0 .LBB2_2-.Ltmp0, $4  }
0x58: {  	[sflag:s26] =	ssyncset.done @!p1 $0x0  }
0x59: {  	s23 =	smov.u32 s20;
	s25 =	simm.s32 @!p1 $0x4100;
	[sflag:s26] =	ssyncadd.s32 @!p1 $0xFFFFD800  }
0x5a: {  	[tilespmem:s25], [sflag:$0x2] =	stream.indirect.gather @!p1 [hbm4b:s2+s24], $0x80, s31, s24, $0xb8;
	[tilespmem:$0xB900] =	vst v63  }
0x5b: {  	s20 =	sadd.s32 $0x1400, s20;
	p1 =	seq.s32 s21, $0x0;
	_ =	swait.ge [sflag:s14], $0x2800  }
0x5c: {  	[sflag:s14] =	ssyncset.done $0x0  }
0x5d: {  	s22 =	simm.s32 @!p1 $0x7;
	[sflag:s14] =	ssyncadd.s32 $0xFFFFD800  }
0x5e: {  	[hbm4b:s23+s3] =	stream.linear.scatter [tilespmem:s12], [sflag:$0x8], $0x2800, $0x38;
	[tilespmem:$0xB900] =	vst v63  }
0x5f: {  	_ =	swait.ge @!p1 [sflag:s22], $0x2800  }
0x60: {  	s24 =	sshra.s32 s21, $0x2;
	[sflag:s22] =	ssyncset.done @!p1 $0x0  }
0x61: {  	s28 =	sadd.s32 $0xA0, s24;
	s26 =	rddreg [dreg:$0x4];
	[sflag:s22] =	ssyncadd.s32 @!p1 $0xFFFFD800  }
0x62: {  	[tilespmem:s26], [sflag:$0x3] =	stream.indirect.gather [hbm4b:s2+s8], $0x80, s28, s8, $0xb8;
	[tilespmem:$0xB900] =	vst v63  }
0x63: {  	_ =	swait.ge [sflag:s11], $0x2800  }
0x64: {  	[sflag:s11] =	ssyncset.done $0x0  }
0x65: {  	s29 =	sadd.s32 $0xFFFFF100, s20;
	s23 =	simm.s32 @!p1 $0x8;
	[sflag:s11] =	ssyncadd.s32 $0xFFFFD800  }
0x66: {  	[hbm4b:s29+s3] =	stream.linear.scatter [tilespmem:s9], [sflag:$0x5], $0x2800, $0x38;
	[tilespmem:$0xB900] =	vst v63  }
0x67: {  	_ =	swait.ge @!p1 [sflag:s23], $0x2800  }
0x68: {  	[sflag:s23] =	ssyncset.done @!p1 $0x0  }
0x69: {  	s30 =	sadd.s32 $0xF0, s24;
	[sflag:s23] =	ssyncadd.s32 @!p1 $0xFFFFD800  }
0x6a: {  	[tilespmem:s12], [sflag:$0x4] =	stream.indirect.gather [hbm4b:s2+s8], $0x80, s30, s8, $0xb8;
	[tilespmem:$0xB900] =	vst v63  }
0x6b: {  	_ =	swait.ge [sflag:s13], $0x2800  }
0x6c: {  	p0 =	seq.s32 s21, $0x5F00;
	[sflag:s13] =	ssyncset.done $0x0  }
0x6d: {  	s31 =	sadd.s32 $0xFFFFF600, s20;
	s23 =	simm.s32 @p0 $0x3;
	[sflag:s13] =	ssyncadd.s32 $0xFFFFD800  }
0x6e: {  	[hbm4b:s31+s3] =	stream.linear.scatter [tilespmem:s10], [sflag:$0x6], $0x2800, $0x38;
	[tilespmem:$0xB900] =	vst v63  }
0x6f: {  	_ =	swait.ge @p0 [sflag:s23], $0x2800  }
0x70: {  	s24 =	sadd.s32 @p0 $0xFFFFFB00, s20;
	s25 =	simm.s32 @p0 $0x0;
	[sflag:s23] =	ssyncset.done @p0 $0x0  }
0x71: {  	s22 =	simm.s32 @p0 $0x6900;
	[sflag:s23] =	ssyncadd.s32 @p0 $0xFFFFD800;
	s23 =	simm.s32 @!p0 $0x5  }
0x72: {  	[hbm4b:s24+s25] =	stream.linear.scatter @p0 [tilespmem:s22], [sflag:$0x7], $0x2800, $0x38;
	[tilespmem:$0xB900] =	vst v63  }
0x73: {  	s21 =	sshra.s32 @!p0 s21, $0x2;
	_ =	swait.ge @!p0 [sflag:s23], $0x2800  }
0x74: {  	s22 =	sadd.s32 @!p0 $0x140, s21;
	s24 =	simm.s32 @!p0 $0x50;
	[sflag:s23] =	ssyncset.done @!p0 $0x0  }
0x75: {  	s25 =	simm.s32 @!p0 $0x1900;
	[sflag:s23] =	ssyncadd.s32 @!p0 $0xFFFFD800;
	s23 =	simm.s32 @!p0 $0x3  }
0x76: {  	[tilespmem:s25], [sflag:$0x1] =	stream.indirect.gather @!p0 [hbm4b:s2+s24], $0x80, s22, s24, $0xb8;
	[tilespmem:$0xB900] =	vst v63  }
0x77: {  	_ =	swait.ge @!p0 [sflag:s23], $0x2800  }
0x78: {  	s26 =	simm.s32 @!p0 $0x0;
	s22 =	simm.s32 @!p0 $0x6900;
	[sflag:s23] =	ssyncset.done @!p0 $0x0  }
0x79: {  	s25 =	sadd.s32 @!p0 $0xFFFFFB00, s20;
	[sflag:s23] =	ssyncadd.s32 @!p0 $0xFFFFD800;
	s23 =	simm.s32 @!p0 $0x6  }
0x7a: {  	[hbm4b:s25+s26] =	stream.linear.scatter @!p0 [tilespmem:s22], [sflag:$0x7], $0x2800, $0x38;
	[tilespmem:$0xB900] =	vst v63  }
0x7b: {  	_ =	swait.ge @!p0 [sflag:s23], $0x2800  }
0x7c: {  	[sflag:s23] =	ssyncset.done @!p0 $0x0  }
0x7d: {  	s21 =	sadd.s32 @!p0 $0x190, s21;
	s22 =	simm.s32 @!p0 $0x4100;
	[sflag:s23] =	ssyncadd.s32 @!p0 $0xFFFFD800  }
0x7e: {  	[tilespmem:s22], [sflag:$0x2] =	stream.indirect.gather @!p0 [hbm4b:s2+s24], $0x80, s21, s24, $0xb8;
	[tilespmem:$0xB900] =	vst v63  }
0x7f: {  	_ =	swait.ge [sflag:s14], $0x2800  }
0x80: {  	[sflag:s14] =	ssyncset.done $0x0  }
0x81: {  	[sflag:s14] =	ssyncadd.s32 $0xFFFFD800  }
0x82: {  	[hbm4b:s20+s3] =	stream.linear.scatter [tilespmem:s12], [sflag:$0x8], $0x2800, $0x38;
	[tilespmem:$0xB900] =	vst v63  }
0x83: {  	_ =	swait.ge [sflag:s15], $0x2800  }
0x84: {  	[sflag:s15] =	ssyncset.done $0x0  }
0x85: {  	[sflag:s15] =	ssyncadd.s32 $0xFFFFD800  }
0x86: {  	_ =	swait.ge [sflag:s16], $0x2800  }
0x87: {  	[sflag:s16] =	ssyncset.done $0x0  }
0x88: {  	s19 =	sadd.s32 $0x1, s19;
	[sflag:s16] =	ssyncadd.s32 $0xFFFFD800  }
0x89: {  	p0 =	sne.s32 s19, s5;
	_ =	swait.ge [sflag:s17], $0x2800  }
.Ltmp1:
0x8a: {  	[sflag:s17] =	ssyncset.done $0x0;
	(pc) =	sbr.rel @p0 .LBB2_1-.Ltmp1, $4  }
0x8b: {  	[sflag:s17] =	ssyncadd.s32 $0xFFFFD800  }
0x8c: {  	_ =	swait.ge [sflag:s18], $0x2800  }
0x8d: {  	[sflag:s18] =	ssyncset.done $0x0  }
0x8e: {  	[sflag:s18] =	ssyncadd.s32 $0xFFFFD800  }
0x8f: {  	_ =	sfence.sel $0x180000  }
0x90: {  	[bflag:$0x0] =	sbarrier.arrive $0xFFFF  }
0x91: {  	p0 =	sne.s32 s0, $0x0;
	_ =	strace $0x90000047  }
0x92: {  	s0 =	sadd.s32 @!p0 $0x100000, s1;
	[bflag:$0x2] =	sbarrier.arrive $0xFFFF  }
0x93: {  	[sflag:s0] =	ssyncadd.tile.s32 @!p0 $0x1;
	_ =	shalt  }
.Lfunc_end2:
_tile_overlayer_lowered:
.L_overlay_start_2:
0x94: {  	(tag) =	ssettag $0x2  }
0x95: {  	s0 =	rddreg [dreg:$0x0];
	s2 =	stileid.u32  }
0x96: {  	s1 =	rddreg [dreg:$0x1];
	p0 =	sne.s32 s2, $0x0  }
0x97: {  	s3 =	rddreg [dreg:$0x2];
	[bflag:$0x3] =	sbarrier.arrive $0xFFFF;
	s2 =	simm.s32 @!p0 $0x1C09  }
0x98: {  	[timem:s3], [sflag:s2] =	dma.local @!p0 [hbm:s0], s1  }
0x99: {  	s0 =	simm.s32 @!p0 $0x9  }
0x9a: {  	_ =	swait.ge @!p0 [sflag:s0], s1  }
0x9b: {  	s1 =	ssub.s32 @!p0 $0x0, s1;
	[sflag:s0] =	ssyncset.done @!p0 $0x0  }
0x9c: {  	[sflag:s0] =	ssyncadd.s32 @!p0 s1  }
0x9d: {  	[bflag:$0x3] =	sbarrier.arrive $0xFFFF  }
0x9e: {  	_ =	shalt  }

</sc_bundles>
